<compile_context>
chip_gen: v7x
topology: tpu7x:2x2x1
jax: 0.10.2.dev20260603
libtpu: 0.0.44.dev20260713+nightly
codegen_flags: <defaults>
</compile_context>

<pallas_src>
import functools

import jax
import jax.numpy as jnp
from jax import lax
from jax.experimental import pallas as pl
from jax.experimental.pallas import tpu as pltpu, tpu_sc as plsc

_DIM = 32
_N_EMBED = 8192
_ROWS = 8192
_R_BLK = 2048
_CHUNK = 2048
_INT_MAX = 2**31 - 1


def _argmin_body(f_ref, e_ref, fsq_ref, esq_ref, ind_ref):
    f = f_ref[...]
    fsq = fsq_ref[...]
    fb = f.astype(jnp.bfloat16)

    def chunk_min(c):
        e = e_ref[:, pl.ds(c * _CHUNK, _CHUNK)]
        eb = e.astype(jnp.bfloat16)
        mm2 = lax.dot_general(fb, eb + eb,
                              (((1,), (0,)), ((), ())),
                              preferred_element_type=jnp.float32)
        esq = esq_ref[:, pl.ds(c * _CHUNK, _CHUNK)]
        d = (fsq - mm2) + esq
        m = jnp.min(d, axis=1, keepdims=True)
        ids = (lax.broadcasted_iota(jnp.int32, (_R_BLK, _CHUNK), 1)
               + c * _CHUNK)
        i = jnp.min(jnp.where(d == m, ids, _INT_MAX), axis=1, keepdims=True)
        return m, i

    def fold(c, carry):
        acc, idx = carry
        m, i = chunk_min(c)
        better = m < acc
        acc = jnp.where(better,
                        m.astype(jnp.bfloat16).astype(jnp.float32), acc)
        idx = jnp.where(better, i, idx)
        return acc, idx

    carry = (jnp.full((_R_BLK, 1), jnp.inf, jnp.float32),
             jnp.zeros((_R_BLK, 1), jnp.int32))
    for c in range(_N_EMBED // _CHUNK):
        carry = fold(c, carry)
    ind_ref[...] = carry[1]


def _tc_argmin(flatten, embed, fsq, esq):
    return pl.pallas_call(
        _argmin_body,
        grid=(_ROWS // _R_BLK,),
        in_specs=[pl.BlockSpec((_R_BLK, _DIM), lambda i: (i, 0)),
                  pl.BlockSpec((_DIM, _N_EMBED), lambda i: (0, 0)),
                  pl.BlockSpec((_R_BLK, 1), lambda i: (i, 0)),
                  pl.BlockSpec((1, _N_EMBED), lambda i: (0, 0))],
        out_specs=pl.BlockSpec((_R_BLK, 1), lambda i: (i, 0)),
        out_shape=jax.ShapeDtypeStruct((_ROWS, 1), jnp.int32),
    )(flatten, embed, fsq, esq)


_SC_INFO = plsc.get_sparse_core_info()
_NW = _SC_INFO.num_cores * _SC_INFO.num_subcores
_B_W = _ROWS // _NW


def _make_sc_gather():
    mesh = plsc.VectorSubcoreMesh(core_axis_name="c", subcore_axis_name="s")

    @functools.partial(
        pl.kernel, mesh=mesh,
        out_type=[jax.ShapeDtypeStruct((_ROWS, _DIM), jnp.float32),
                  jax.ShapeDtypeStruct((_ROWS, _DIM), jnp.float32)],
        scratch_types=[pltpu.VMEM((_B_W // 2,), jnp.int32),
                       pltpu.VMEM((_B_W // 2,), jnp.int32),
                       pltpu.VMEM((_B_W // 2, 128), jnp.float32),
                       pltpu.VMEM((_B_W, _DIM), jnp.float32),
                       pltpu.VMEM((_B_W, _DIM), jnp.float32),
                       pltpu.VMEM((_B_W, _DIM), jnp.float32),
                       pltpu.SemaphoreType.DMA],
    )
    def sc_gather(table_hbm, idx_hbm, x_hbm, qst_hbm, diff_hbm,
                  idx_v0, idx_v1, rows_v, x_v, qst_v, diff_v, sem):
        wid = lax.axis_index("s") * _SC_INFO.num_cores + lax.axis_index("c")
        base = wid * _B_W
        half = _B_W // 2
        pltpu.sync_copy(idx_hbm.at[pl.ds(base, half)], idx_v0)
        pltpu.sync_copy(idx_hbm.at[pl.ds(base + half, half)], idx_v1)
        pltpu.sync_copy(x_hbm.at[pl.ds(base, _B_W)], x_v)
        for b, idx_v in ((0, idx_v0), (1, idx_v1)):
            pltpu.async_copy(table_hbm.at[idx_v], rows_v, sem).wait()

            def row(i, _):
                for h in (0, 16):
                    r = rows_v[i, pl.ds(h, 16)]
                    xx = x_v[b * half + i, pl.ds(h, 16)]
                    dd = r - xx
                    diff_v[b * half + i, pl.ds(h, 16)] = dd
                    qst_v[b * half + i, pl.ds(h, 16)] = xx + dd
                return 0

            lax.fori_loop(0, half, row, 0)
        pltpu.sync_copy(qst_v, qst_hbm.at[pl.ds(base, _B_W)])
        pltpu.sync_copy(diff_v, diff_hbm.at[pl.ds(base, _B_W)])

    return sc_gather


_sc_gather = _make_sc_gather()


def kernel(input, embed):
    x = jnp.transpose(input, (0, 2, 3, 1))
    flatten = x.reshape(-1, _DIM)
    fsq = jnp.sum(flatten ** 2, axis=1, keepdims=True)
    esq = jnp.sum(embed ** 2, axis=0, keepdims=True)
    ind2d = _tc_argmin(flatten, embed, fsq, esq)
    idx = ind2d.reshape(_ROWS)
    table = jnp.pad(jnp.transpose(embed), ((0, 0), (0, 96)))
    qst, diff = _sc_gather(table, idx, flatten)
    embed_ind = ind2d.reshape(8, 32, 32)
    quantize_out = jnp.transpose(qst.reshape(8, 32, 32, _DIM), (0, 3, 1, 2))
    diff_out = diff.reshape(8, 32, 32, _DIM)
    return quantize_out, diff_out, embed_ind

# --- scband reference (transcript-rebuilt; emitter-appended) ---
"""Pipeline reference for scband-quantize-ema-51410758533674 (READ-ONLY COPY).

The authoritative reference and input builder live on the scoring server;
editing this copy changes nothing except your own understanding.
"""

import jax, jax.numpy as jnp
import numpy as np

DIM = 32
N_EMBED = 8192

def setup_inputs(seed: int = 0) -> dict:
    key = jax.random.key(seed)
    k1, k2 = jax.random.split(key)
    inp = jax.random.normal(k1, (8, DIM, 32, 32), dtype=jnp.float32)
    # embed buffer: randn(dim, n_embed) * sigma + mu with sigma=1, mu=0
    embed = jax.random.normal(k2, (DIM, N_EMBED), dtype=jnp.float32)
    return {"input": inp, "embed": embed}

def reference(input, embed):
    # permute(0, 2, 3, 1)
    x = jnp.transpose(input, (0, 2, 3, 1))
    flatten = x.reshape(-1, DIM)
    # squared L2 distance to all codes: ||f||^2 - 2 f.E + ||e||^2
    dist = (jnp.sum(flatten ** 2, axis=1, keepdims=True)
            - 2.0 * (flatten @ embed)
            + jnp.sum(embed ** 2, axis=0, keepdims=True))
    embed_ind = jnp.argmax(-dist, axis=1)
    embed_ind = embed_ind.reshape(x.shape[:-1])
    # embed_code: F.embedding(idx, embed.T) -> gather rows of embed.T
    quantize = jnp.take(jnp.transpose(embed), embed_ind, axis=0)
    # NOTE: in the torch module the EMA buffer updates (cluster_size, embed_avg,
    # embed) happen after quantize is computed, so they do not affect this
    # forward's outputs; outputs are identical for training=True/False.
    diff = jax.lax.stop_gradient(quantize) - x
    quantize_st = x + jax.lax.stop_gradient(quantize - x)
    quantize_out = jnp.transpose(quantize_st, (0, 3, 1, 2))
    return quantize_out, diff, embed_ind

if __name__ == "__main__":
    import jax
    _d = setup_inputs()
    print(jax.jit(kernel)(*tuple(_d.values())))

</pallas_src>

<mosaic_0001>
#map = affine_map<(d0, d1) -> (0, 0)>
#map1 = affine_map<(d0, d1) -> (0)>
module attributes {stable_mosaic.version = 14 : i64} {
  func.func @sc_gather(%arg0: i32, %arg1: i32, %arg2: memref<8192x128xf32, #tpu.memory_space<hbm>>, %arg3: memref<8192xi32, #tpu.memory_space<hbm>>, %arg4: memref<8192x32xf32, #tpu.memory_space<hbm>>, %arg5: memref<8192x32xf32, #tpu.memory_space<hbm>>, %arg6: memref<8192x32xf32, #tpu.memory_space<hbm>>, %arg7: memref<128xi32, #tpu.memory_space<vmem>>, %arg8: memref<128xi32, #tpu.memory_space<vmem>>, %arg9: memref<128x128xf32, #tpu.memory_space<vmem>>, %arg10: memref<256x32xf32, #tpu.memory_space<vmem>>, %arg11: memref<256x32xf32, #tpu.memory_space<vmem>>, %arg12: memref<256x32xf32, #tpu.memory_space<vmem>>, %arg13: memref<!tpu.dma_semaphore, #tpu.memory_space<semaphore_mem>>) attributes {dimension_semantics = [#tpu.dimension_semantics<core_parallel>, #tpu.dimension_semantics<subcore_parallel>], iteration_bounds = array<i64: 2, 16>, scalar_prefetch = 0 : i64, scratch_operands = 7 : i64, tpu.core_type = #tpu.core_type<sc_vector_subcore>, window_params = [{transform_indices = #map}, {transform_indices = #map1}, {transform_indices = #map}, {transform_indices = #map}, {transform_indices = #map}]} {
    %mul3A = arith.constant 2 : i32
    %mul3A_0 = arith.muli %arg1, %mul3A : i32
    %add3A = arith.addi %mul3A_0, %arg0 : i32
    %mul3A_1 = arith.constant 256 : i32
    %mul3A_2 = arith.muli %add3A, %mul3A_1 : i32
    "tpu.region"() ({
      %run_scoped3A = tpu.sem_alloc : memref<!tpu.dma_semaphore, #tpu.memory_space<semaphore_mem>>
      %dma_start3A_28 = tpu.memref_slice %arg3[%mul3A_2] : memref<8192xi32, #tpu.memory_space<hbm>> -> memref<128xi32, #tpu.memory_space<hbm>>
      %dma_start3A_29 = tpu.memref_slice %arg3[%mul3A_2] : memref<8192xi32, #tpu.memory_space<hbm>> -> memref<128xi32, #tpu.memory_space<hbm>>
      tpu.enqueue_dma source(%dma_start3A_29 : memref<128xi32, #tpu.memory_space<hbm>>) target(%arg7 : memref<128xi32, #tpu.memory_space<vmem>>) target_semaphore(%run_scoped3A : memref<!tpu.dma_semaphore, #tpu.memory_space<semaphore_mem>>)
      %dma_wait3A_30 = tpu.memref_slice %arg3[%mul3A_2] : memref<8192xi32, #tpu.memory_space<hbm>> -> memref<128xi32, #tpu.memory_space<hbm>>
      %dma_wait3A_31 = tpu.memref_slice %arg3[%mul3A_2] : memref<8192xi32, #tpu.memory_space<hbm>> -> memref<128xi32, #tpu.memory_space<hbm>>
      tpu.wait_dma2 semaphore(%run_scoped3A : memref<!tpu.dma_semaphore, #tpu.memory_space<semaphore_mem>>) src(%dma_wait3A_31 : memref<128xi32, #tpu.memory_space<hbm>>) dst(%arg7 : memref<128xi32, #tpu.memory_space<vmem>>)
      tpu.yield
    }) : () -> ()
    %add3A_3 = arith.constant 128 : i32
    %add3A_4 = arith.addi %mul3A_2, %add3A_3 : i32
    "tpu.region"() ({
      %run_scoped3A = tpu.sem_alloc : memref<!tpu.dma_semaphore, #tpu.memory_space<semaphore_mem>>
      %dma_start3A_28 = tpu.memref_slice %arg3[%add3A_4] : memref<8192xi32, #tpu.memory_space<hbm>> -> memref<128xi32, #tpu.memory_space<hbm>>
      %dma_start3A_29 = tpu.memref_slice %arg3[%add3A_4] : memref<8192xi32, #tpu.memory_space<hbm>> -> memref<128xi32, #tpu.memory_space<hbm>>
      tpu.enqueue_dma source(%dma_start3A_29 : memref<128xi32, #tpu.memory_space<hbm>>) target(%arg8 : memref<128xi32, #tpu.memory_space<vmem>>) target_semaphore(%run_scoped3A : memref<!tpu.dma_semaphore, #tpu.memory_space<semaphore_mem>>)
      %dma_wait3A_30 = tpu.memref_slice %arg3[%add3A_4] : memref<8192xi32, #tpu.memory_space<hbm>> -> memref<128xi32, #tpu.memory_space<hbm>>
      %dma_wait3A_31 = tpu.memref_slice %arg3[%add3A_4] : memref<8192xi32, #tpu.memory_space<hbm>> -> memref<128xi32, #tpu.memory_space<hbm>>
      tpu.wait_dma2 semaphore(%run_scoped3A : memref<!tpu.dma_semaphore, #tpu.memory_space<semaphore_mem>>) src(%dma_wait3A_31 : memref<128xi32, #tpu.memory_space<hbm>>) dst(%arg8 : memref<128xi32, #tpu.memory_space<vmem>>)
      tpu.yield
    }) : () -> ()
    "tpu.region"() ({
      %run_scoped3A = tpu.sem_alloc : memref<!tpu.dma_semaphore, #tpu.memory_space<semaphore_mem>>
      %dma_start3A_28 = arith.constant 0 : i32
      %dma_start3A_29 = tpu.memref_slice %arg4[%mul3A_2, %dma_start3A_28] : memref<8192x32xf32, #tpu.memory_space<hbm>> -> memref<256x32xf32, #tpu.memory_space<hbm>>
      %dma_start3A_30 = arith.constant 0 : i32
      %dma_start3A_31 = tpu.memref_slice %arg4[%mul3A_2, %dma_start3A_30] : memref<8192x32xf32, #tpu.memory_space<hbm>> -> memref<256x32xf32, #tpu.memory_space<hbm>>
      tpu.enqueue_dma source(%dma_start3A_31 : memref<256x32xf32, #tpu.memory_space<hbm>>) target(%arg10 : memref<256x32xf32, #tpu.memory_space<vmem>>) target_semaphore(%run_scoped3A : memref<!tpu.dma_semaphore, #tpu.memory_space<semaphore_mem>>)
      %dma_wait3A_32 = arith.constant 0 : i32
      %dma_wait3A_33 = tpu.memref_slice %arg4[%mul3A_2, %dma_wait3A_32] : memref<8192x32xf32, #tpu.memory_space<hbm>> -> memref<256x32xf32, #tpu.memory_space<hbm>>
      %dma_wait3A_34 = arith.constant 0 : i32
      %dma_wait3A_35 = tpu.memref_slice %arg4[%mul3A_2, %dma_wait3A_34] : memref<8192x32xf32, #tpu.memory_space<hbm>> -> memref<256x32xf32, #tpu.memory_space<hbm>>
      tpu.wait_dma2 semaphore(%run_scoped3A : memref<!tpu.dma_semaphore, #tpu.memory_space<semaphore_mem>>) src(%dma_wait3A_35 : memref<256x32xf32, #tpu.memory_space<hbm>>) dst(%arg10 : memref<256x32xf32, #tpu.memory_space<vmem>>)
      tpu.yield
    }) : () -> ()
    %dma_start3A = arith.constant 0 : i32
    %dma_start3A_5 = arith.constant 0 : i32
    %dma_start3A_6 = tpu.memref_slice %arg2[%dma_start3A, %dma_start3A_5] : memref<8192x128xf32, #tpu.memory_space<hbm>> -> memref<8192x128xf32, #tpu.memory_space<hbm>>
    tpu.enqueue_indirect_dma source(%dma_start3A_6 : memref<8192x128xf32, #tpu.memory_space<hbm>>) target(%arg9 : memref<128x128xf32, #tpu.memory_space<vmem>>) offsets(%arg7 : memref<128xi32, #tpu.memory_space<vmem>>) semaphore(%arg13 : memref<!tpu.dma_semaphore, #tpu.memory_space<semaphore_mem>>)
    %dma_wait3A = arith.constant 0 : i32
    %dma_wait3A_7 = arith.constant 0 : i32
    %dma_wait3A_8 = tpu.memref_slice %arg2[%dma_wait3A, %dma_wait3A_7] : memref<8192x128xf32, #tpu.memory_space<hbm>> -> memref<8192x128xf32, #tpu.memory_space<hbm>>
    tpu.wait_indirect_dma semaphore(%arg13 : memref<!tpu.dma_semaphore, #tpu.memory_space<semaphore_mem>>) src(%dma_wait3A_8 : memref<8192x128xf32, #tpu.memory_space<hbm>>) dst(%arg9 : memref<128x128xf32, #tpu.memory_space<vmem>>)
    %scan3A = arith.constant 0 : i32
    %scan3A_9 = arith.constant 0 : i32
    %scan3A_10 = arith.constant 128 : i32
    %scan3A_11 = arith.addi %scan3A_9, %scan3A_10 : i32
    %scan3A_12 = arith.constant 1 : i32
    %scan3A_13 = scf.for %scan3A_28 = %scan3A_9 to %scan3A_11 step %scan3A_12 iter_args(%scan3A_29 = %scan3A) -> (i32)  : i32 {
      %get3A = arith.index_cast %scan3A_28 : i32 to index
      %get3A_30 = arith.constant 0 : index
      %get3A_31 = tpu.vector_load %arg9[%get3A, %get3A_30] {strides = array<i32>} : memref<128x128xf32, #tpu.memory_space<vmem>>, vector<1x16xf32>,
      %get3A_32 = vector.shape_cast %get3A_31 : vector<1x16xf32> to vector<16xf32>
      %add3A_33 = arith.constant 0 : i32
      %add3A_34 = arith.addi %add3A_33, %scan3A_28 : i32
      %get3A_35 = arith.index_cast %add3A_34 : i32 to index
      %get3A_36 = arith.constant 0 : index
      %get3A_37 = tpu.vector_load %arg10[%get3A_35, %get3A_36] {strides = array<i32>} : memref<256x32xf32, #tpu.memory_space<vmem>>, vector<1x16xf32>,
      %get3A_38 = vector.shape_cast %get3A_37 : vector<1x16xf32> to vector<16xf32>
      %sub3A = arith.subf %get3A_32, %get3A_38 : vector<16xf32>
      %add3A_39 = arith.constant 0 : i32
      %add3A_40 = arith.addi %add3A_39, %scan3A_28 : i32
      %swap3A = arith.index_cast %add3A_40 : i32 to index
      %swap3A_41 = arith.constant 0 : index
      %swap3A_42 = tpu.vector_load %arg12[%swap3A, %swap3A_41] {strides = array<i32>} : memref<256x32xf32, #tpu.memory_space<vmem>>, vector<1x16xf32>,
      %swap3A_43 = vector.shape_cast %swap3A_42 : vector<1x16xf32> to vector<16xf32>
      %swap3A_44 = vector.shape_cast %sub3A : vector<16xf32> to vector<1x16xf32>
      tpu.vector_store %arg12[%swap3A, %swap3A_41], %swap3A_44 {strides = array<i32>} : memref<256x32xf32, #tpu.memory_space<vmem>>, vector<1x16xf32>,
      %add3A_45 = arith.addf %get3A_38, %sub3A : vector<16xf32>
      %add3A_46 = arith.constant 0 : i32
      %add3A_47 = arith.addi %add3A_46, %scan3A_28 : i32
      %swap3A_48 = arith.index_cast %add3A_47 : i32 to index
      %swap3A_49 = arith.constant 0 : index
      %swap3A_50 = tpu.vector_load %arg11[%swap3A_48, %swap3A_49] {strides = array<i32>} : memref<256x32xf32, #tpu.memory_space<vmem>>, vector<1x16xf32>,
      %swap3A_51 = vector.shape_cast %swap3A_50 : vector<1x16xf32> to vector<16xf32>
      %swap3A_52 = vector.shape_cast %add3A_45 : vector<16xf32> to vector<1x16xf32>
      tpu.vector_store %arg11[%swap3A_48, %swap3A_49], %swap3A_52 {strides = array<i32>} : memref<256x32xf32, #tpu.memory_space<vmem>>, vector<1x16xf32>,
      %get3A_53 = arith.index_cast %scan3A_28 : i32 to index
      %get3A_54 = arith.constant 16 : index
      %get3A_55 = tpu.vector_load %arg9[%get3A_53, %get3A_54] {strides = array<i32>} : memref<128x128xf32, #tpu.memory_space<vmem>>, vector<1x16xf32>,
      %get3A_56 = vector.shape_cast %get3A_55 : vector<1x16xf32> to vector<16xf32>
      %add3A_57 = arith.constant 0 : i32
      %add3A_58 = arith.addi %add3A_57, %scan3A_28 : i32
      %get3A_59 = arith.index_cast %add3A_58 : i32 to index
      %get3A_60 = arith.constant 16 : index
      %get3A_61 = tpu.vector_load %arg10[%get3A_59, %get3A_60] {strides = array<i32>} : memref<256x32xf32, #tpu.memory_space<vmem>>, vector<1x16xf32>,
      %get3A_62 = vector.shape_cast %get3A_61 : vector<1x16xf32> to vector<16xf32>
      %sub3A_63 = arith.subf %get3A_56, %get3A_62 : vector<16xf32>
      %add3A_64 = arith.constant 0 : i32
      %add3A_65 = arith.addi %add3A_64, %scan3A_28 : i32
      %swap3A_66 = arith.index_cast %add3A_65 : i32 to index
      %swap3A_67 = arith.constant 16 : index
      %swap3A_68 = tpu.vector_load %arg12[%swap3A_66, %swap3A_67] {strides = array<i32>} : memref<256x32xf32, #tpu.memory_space<vmem>>, vector<1x16xf32>,
      %swap3A_69 = vector.shape_cast %swap3A_68 : vector<1x16xf32> to vector<16xf32>
      %swap3A_70 = vector.shape_cast %sub3A_63 : vector<16xf32> to vector<1x16xf32>
      tpu.vector_store %arg12[%swap3A_66, %swap3A_67], %swap3A_70 {strides = array<i32>} : memref<256x32xf32, #tpu.memory_space<vmem>>, vector<1x16xf32>,
      %add3A_71 = arith.addf %get3A_62, %sub3A_63 : vector<16xf32>
      %add3A_72 = arith.constant 0 : i32
      %add3A_73 = arith.addi %add3A_72, %scan3A_28 : i32
      %swap3A_74 = arith.index_cast %add3A_73 : i32 to index
      %swap3A_75 = arith.constant 16 : index
      %swap3A_76 = tpu.vector_load %arg11[%swap3A_74, %swap3A_75] {strides = array<i32>} : memref<256x32xf32, #tpu.memory_space<vmem>>, vector<1x16xf32>,
      %swap3A_77 = vector.shape_cast %swap3A_76 : vector<1x16xf32> to vector<16xf32>
      %swap3A_78 = vector.shape_cast %add3A_71 : vector<16xf32> to vector<1x16xf32>
      tpu.vector_store %arg11[%swap3A_74, %swap3A_75], %swap3A_78 {strides = array<i32>} : memref<256x32xf32, #tpu.memory_space<vmem>>, vector<1x16xf32>,
      %scan3A_79 = arith.constant 0 : i32
      scf.yield %scan3A_79 : i32
    }
    %scan3A_14 = arith.constant 128 : i32
    %dma_start3A_15 = arith.constant 0 : i32
    %dma_start3A_16 = arith.constant 0 : i32
    %dma_start3A_17 = tpu.memref_slice %arg2[%dma_start3A_15, %dma_start3A_16] : memref<8192x128xf32, #tpu.memory_space<hbm>> -> memref<8192x128xf32, #tpu.memory_space<hbm>>
    tpu.enqueue_indirect_dma source(%dma_start3A_17 : memref<8192x128xf32, #tpu.memory_space<hbm>>) target(%arg9 : memref<128x128xf32, #tpu.memory_space<vmem>>) offsets(%arg8 : memref<128xi32, #tpu.memory_space<vmem>>) semaphore(%arg13 : memref<!tpu.dma_semaphore, #tpu.memory_space<semaphore_mem>>)
    %dma_wait3A_18 = arith.constant 0 : i32
    %dma_wait3A_19 = arith.constant 0 : i32
    %dma_wait3A_20 = tpu.memref_slice %arg2[%dma_wait3A_18, %dma_wait3A_19] : memref<8192x128xf32, #tpu.memory_space<hbm>> -> memref<8192x128xf32, #tpu.memory_space<hbm>>
    tpu.wait_indirect_dma semaphore(%arg13 : memref<!tpu.dma_semaphore, #tpu.memory_space<semaphore_mem>>) src(%dma_wait3A_20 : memref<8192x128xf32, #tpu.memory_space<hbm>>) dst(%arg9 : memref<128x128xf32, #tpu.memory_space<vmem>>)
    %scan3A_21 = arith.constant 0 : i32
    %scan3A_22 = arith.constant 0 : i32
    %scan3A_23 = arith.constant 128 : i32
    %scan3A_24 = arith.addi %scan3A_22, %scan3A_23 : i32
    %scan3A_25 = arith.constant 1 : i32
    %scan3A_26 = scf.for %scan3A_28 = %scan3A_22 to %scan3A_24 step %scan3A_25 iter_args(%scan3A_29 = %scan3A_21) -> (i32)  : i32 {
      %get3A = arith.index_cast %scan3A_28 : i32 to index
      %get3A_30 = arith.constant 0 : index
      %get3A_31 = tpu.vector_load %arg9[%get3A, %get3A_30] {strides = array<i32>} : memref<128x128xf32, #tpu.memory_space<vmem>>, vector<1x16xf32>,
      %get3A_32 = vector.shape_cast %get3A_31 : vector<1x16xf32> to vector<16xf32>
      %add3A_33 = arith.constant 128 : i32
      %add3A_34 = arith.addi %add3A_33, %scan3A_28 : i32
      %get3A_35 = arith.index_cast %add3A_34 : i32 to index
      %get3A_36 = arith.constant 0 : index
      %get3A_37 = tpu.vector_load %arg10[%get3A_35, %get3A_36] {strides = array<i32>} : memref<256x32xf32, #tpu.memory_space<vmem>>, vector<1x16xf32>,
      %get3A_38 = vector.shape_cast %get3A_37 : vector<1x16xf32> to vector<16xf32>
      %sub3A = arith.subf %get3A_32, %get3A_38 : vector<16xf32>
      %add3A_39 = arith.constant 128 : i32
      %add3A_40 = arith.addi %add3A_39, %scan3A_28 : i32
      %swap3A = arith.index_cast %add3A_40 : i32 to index
      %swap3A_41 = arith.constant 0 : index
      %swap3A_42 = tpu.vector_load %arg12[%swap3A, %swap3A_41] {strides = array<i32>} : memref<256x32xf32, #tpu.memory_space<vmem>>, vector<1x16xf32>,
      %swap3A_43 = vector.shape_cast %swap3A_42 : vector<1x16xf32> to vector<16xf32>
      %swap3A_44 = vector.shape_cast %sub3A : vector<16xf32> to vector<1x16xf32>
      tpu.vector_store %arg12[%swap3A, %swap3A_41], %swap3A_44 {strides = array<i32>} : memref<256x32xf32, #tpu.memory_space<vmem>>, vector<1x16xf32>,
      %add3A_45 = arith.addf %get3A_38, %sub3A : vector<16xf32>
      %add3A_46 = arith.constant 128 : i32
      %add3A_47 = arith.addi %add3A_46, %scan3A_28 : i32
      %swap3A_48 = arith.index_cast %add3A_47 : i32 to index
      %swap3A_49 = arith.constant 0 : index
      %swap3A_50 = tpu.vector_load %arg11[%swap3A_48, %swap3A_49] {strides = array<i32>} : memref<256x32xf32, #tpu.memory_space<vmem>>, vector<1x16xf32>,
      %swap3A_51 = vector.shape_cast %swap3A_50 : vector<1x16xf32> to vector<16xf32>
      %swap3A_52 = vector.shape_cast %add3A_45 : vector<16xf32> to vector<1x16xf32>
      tpu.vector_store %arg11[%swap3A_48, %swap3A_49], %swap3A_52 {strides = array<i32>} : memref<256x32xf32, #tpu.memory_space<vmem>>, vector<1x16xf32>,
      %get3A_53 = arith.index_cast %scan3A_28 : i32 to index
      %get3A_54 = arith.constant 16 : index
      %get3A_55 = tpu.vector_load %arg9[%get3A_53, %get3A_54] {strides = array<i32>} : memref<128x128xf32, #tpu.memory_space<vmem>>, vector<1x16xf32>,
      %get3A_56 = vector.shape_cast %get3A_55 : vector<1x16xf32> to vector<16xf32>
      %add3A_57 = arith.constant 128 : i32
      %add3A_58 = arith.addi %add3A_57, %scan3A_28 : i32
      %get3A_59 = arith.index_cast %add3A_58 : i32 to index
      %get3A_60 = arith.constant 16 : index
      %get3A_61 = tpu.vector_load %arg10[%get3A_59, %get3A_60] {strides = array<i32>} : memref<256x32xf32, #tpu.memory_space<vmem>>, vector<1x16xf32>,
      %get3A_62 = vector.shape_cast %get3A_61 : vector<1x16xf32> to vector<16xf32>
      %sub3A_63 = arith.subf %get3A_56, %get3A_62 : vector<16xf32>
      %add3A_64 = arith.constant 128 : i32
      %add3A_65 = arith.addi %add3A_64, %scan3A_28 : i32
      %swap3A_66 = arith.index_cast %add3A_65 : i32 to index
      %swap3A_67 = arith.constant 16 : index
      %swap3A_68 = tpu.vector_load %arg12[%swap3A_66, %swap3A_67] {strides = array<i32>} : memref<256x32xf32, #tpu.memory_space<vmem>>, vector<1x16xf32>,
      %swap3A_69 = vector.shape_cast %swap3A_68 : vector<1x16xf32> to vector<16xf32>
      %swap3A_70 = vector.shape_cast %sub3A_63 : vector<16xf32> to vector<1x16xf32>
      tpu.vector_store %arg12[%swap3A_66, %swap3A_67], %swap3A_70 {strides = array<i32>} : memref<256x32xf32, #tpu.memory_space<vmem>>, vector<1x16xf32>,
      %add3A_71 = arith.addf %get3A_62, %sub3A_63 : vector<16xf32>
      %add3A_72 = arith.constant 128 : i32
      %add3A_73 = arith.addi %add3A_72, %scan3A_28 : i32
      %swap3A_74 = arith.index_cast %add3A_73 : i32 to index
      %swap3A_75 = arith.constant 16 : index
      %swap3A_76 = tpu.vector_load %arg11[%swap3A_74, %swap3A_75] {strides = array<i32>} : memref<256x32xf32, #tpu.memory_space<vmem>>, vector<1x16xf32>,
      %swap3A_77 = vector.shape_cast %swap3A_76 : vector<1x16xf32> to vector<16xf32>
      %swap3A_78 = vector.shape_cast %add3A_71 : vector<16xf32> to vector<1x16xf32>
      tpu.vector_store %arg11[%swap3A_74, %swap3A_75], %swap3A_78 {strides = array<i32>} : memref<256x32xf32, #tpu.memory_space<vmem>>, vector<1x16xf32>,
      %scan3A_79 = arith.constant 0 : i32
      scf.yield %scan3A_79 : i32
    }
    %scan3A_27 = arith.constant 128 : i32
    "tpu.region"() ({
      %run_scoped3A = tpu.sem_alloc : memref<!tpu.dma_semaphore, #tpu.memory_space<semaphore_mem>>
      %dma_start3A_28 = arith.constant 0 : i32
      %dma_start3A_29 = tpu.memref_slice %arg5[%mul3A_2, %dma_start3A_28] : memref<8192x32xf32, #tpu.memory_space<hbm>> -> memref<256x32xf32, #tpu.memory_space<hbm>>
      %dma_start3A_30 = arith.constant 0 : i32
      %dma_start3A_31 = tpu.memref_slice %arg5[%mul3A_2, %dma_start3A_30] : memref<8192x32xf32, #tpu.memory_space<hbm>> -> memref<256x32xf32, #tpu.memory_space<hbm>>
      tpu.enqueue_dma source(%arg11 : memref<256x32xf32, #tpu.memory_space<vmem>>) target(%dma_start3A_31 : memref<256x32xf32, #tpu.memory_space<hbm>>) target_semaphore(%run_scoped3A : memref<!tpu.dma_semaphore, #tpu.memory_space<semaphore_mem>>)
      %dma_wait3A_32 = arith.constant 0 : i32
      %dma_wait3A_33 = tpu.memref_slice %arg5[%mul3A_2, %dma_wait3A_32] : memref<8192x32xf32, #tpu.memory_space<hbm>> -> memref<256x32xf32, #tpu.memory_space<hbm>>
      %dma_wait3A_34 = arith.constant 0 : i32
      %dma_wait3A_35 = tpu.memref_slice %arg5[%mul3A_2, %dma_wait3A_34] : memref<8192x32xf32, #tpu.memory_space<hbm>> -> memref<256x32xf32, #tpu.memory_space<hbm>>
      tpu.wait_dma2 semaphore(%run_scoped3A : memref<!tpu.dma_semaphore, #tpu.memory_space<semaphore_mem>>) src(%arg11 : memref<256x32xf32, #tpu.memory_space<vmem>>) dst(%dma_wait3A_35 : memref<256x32xf32, #tpu.memory_space<hbm>>)
      tpu.yield
    }) : () -> ()
    "tpu.region"() ({
      %run_scoped3A = tpu.sem_alloc : memref<!tpu.dma_semaphore, #tpu.memory_space<semaphore_mem>>
      %dma_start3A_28 = arith.constant 0 : i32
      %dma_start3A_29 = tpu.memref_slice %arg6[%mul3A_2, %dma_start3A_28] : memref<8192x32xf32, #tpu.memory_space<hbm>> -> memref<256x32xf32, #tpu.memory_space<hbm>>
      %dma_start3A_30 = arith.constant 0 : i32
      %dma_start3A_31 = tpu.memref_slice %arg6[%mul3A_2, %dma_start3A_30] : memref<8192x32xf32, #tpu.memory_space<hbm>> -> memref<256x32xf32, #tpu.memory_space<hbm>>
      tpu.enqueue_dma source(%arg12 : memref<256x32xf32, #tpu.memory_space<vmem>>) target(%dma_start3A_31 : memref<256x32xf32, #tpu.memory_space<hbm>>) target_semaphore(%run_scoped3A : memref<!tpu.dma_semaphore, #tpu.memory_space<semaphore_mem>>)
      %dma_wait3A_32 = arith.constant 0 : i32
      %dma_wait3A_33 = tpu.memref_slice %arg6[%mul3A_2, %dma_wait3A_32] : memref<8192x32xf32, #tpu.memory_space<hbm>> -> memref<256x32xf32, #tpu.memory_space<hbm>>
      %dma_wait3A_34 = arith.constant 0 : i32
      %dma_wait3A_35 = tpu.memref_slice %arg6[%mul3A_2, %dma_wait3A_34] : memref<8192x32xf32, #tpu.memory_space<hbm>> -> memref<256x32xf32, #tpu.memory_space<hbm>>
      tpu.wait_dma2 semaphore(%run_scoped3A : memref<!tpu.dma_semaphore, #tpu.memory_space<semaphore_mem>>) src(%arg12 : memref<256x32xf32, #tpu.memory_space<vmem>>) dst(%dma_wait3A_35 : memref<256x32xf32, #tpu.memory_space<hbm>>)
      tpu.yield
    }) : () -> ()
    return
  }
}

module attributes {stable_mosaic.version = 14 : i64} {
  func.func @_argmin_body(%arg0: i32, %arg1: memref<2048x32xf32, #tpu.memory_space<vmem>>, %arg2: memref<32x8192xf32, #tpu.memory_space<vmem>>, %arg3: memref<2048x1xf32, #tpu.memory_space<vmem>>, %arg4: memref<1x8192xf32, #tpu.memory_space<vmem>>, %arg5: memref<2048x1xi32, #tpu.memory_space<vmem>>) attributes {dimension_semantics = [#tpu.dimension_semantics<arbitrary>], iteration_bounds = array<i64: 4>, scalar_prefetch = 0 : i64, scratch_operands = 0 : i64, tpu.core_type = #tpu.core_type<tc>, window_params = [{transform_indices = @transform_0, window_bounds = array<i64: 2048, 32>}, {pipeline_mode = #tpu.pipeline_mode<synchronous>, transform_indices = @transform_1, window_bounds = array<i64: 32, 8192>}, {transform_indices = @transform_2, window_bounds = array<i64: 2048, 1>}, {pipeline_mode = #tpu.pipeline_mode<synchronous>, transform_indices = @transform_3, window_bounds = array<i64: 1, 8192>}, {transform_indices = @transform_4, window_bounds = array<i64: 2048, 1>}]} {
    %get3A = arith.constant 0 : index
    %get3A_0 = arith.constant 0 : index
    %get3A_1 = vector.load %arg1[%get3A, %get3A_0] : memref<2048x32xf32, #tpu.memory_space<vmem>>, vector<2048x32xf32>
    %get3A_2 = arith.constant 0 : index
    %get3A_3 = arith.constant 0 : index
    %get3A_4 = vector.load %arg3[%get3A_2, %get3A_3] : memref<2048x1xf32, #tpu.memory_space<vmem>>, vector<2048x1xf32>
    %convert_element_type3A = arith.truncf %get3A_1 : vector<2048x32xf32> to vector<2048x32xbf16>
    %broadcast_in_dim3A = arith.constant 0x7F800000 : f32
    %broadcast_in_dim3A_5 = vector.broadcast %broadcast_in_dim3A : f32 to vector<2048x1xf32>
    %broadcast_in_dim3A_6 = arith.constant 0 : i32
    %broadcast_in_dim3A_7 = vector.broadcast %broadcast_in_dim3A_6 : i32 to vector<2048x1xi32>
    %get3A_8 = arith.constant 0 : index
    %get3A_9 = arith.constant 0 : index
    %get3A_10 = vector.load %arg2[%get3A_8, %get3A_9] : memref<32x8192xf32, #tpu.memory_space<vmem>>, vector<32x2048xf32>
    %convert_element_type3A_11 = arith.truncf %get3A_10 : vector<32x2048xf32> to vector<32x2048xbf16>
    %add3A = arith.addf %convert_element_type3A_11, %convert_element_type3A_11 : vector<32x2048xbf16>
    %dot_general3A = arith.constant dense<0.000000e+00> : vector<2048x2048xf32>
    %dot_general3A_12 = tpu.matmul %convert_element_type3A, %add3A, %dot_general3A {dimension_numbers = #tpu.dot_dimension_numbers<[1], [0], [0], [1], [0, 0, 1, 1], [], []>, transpose_lhs_hint = false} : vector<2048x32xbf16>, vector<32x2048xbf16>, vector<2048x2048xf32> -> vector<2048x2048xf32>
    %get3A_13 = arith.constant 0 : index
    %get3A_14 = arith.constant 0 : index
    %get3A_15 = vector.load %arg4[%get3A_13, %get3A_14] : memref<1x8192xf32, #tpu.memory_space<vmem>>, vector<1x2048xf32>
    %sub3A = vector.broadcast %get3A_4 : vector<2048x1xf32> to vector<2048x2048xf32>
    %sub3A_16 = arith.subf %sub3A, %dot_general3A_12 : vector<2048x2048xf32>
    %add3A_17 = vector.broadcast %get3A_15 : vector<1x2048xf32> to vector<2048x2048xf32>
    %add3A_18 = arith.addf %sub3A_16, %add3A_17 : vector<2048x2048xf32>
    %reduce_min3A = arith.constant dense<0x7F800000> : vector<2048xf32>
    %reduce_min3A_19 = vector.multi_reduction <minimumf>, %add3A_18, %reduce_min3A [1] : vector<2048x2048xf32> to vector<2048xf32>
    %broadcast_in_dim3A_20 = vector.shape_cast %reduce_min3A_19 : vector<2048xf32> to vector<2048x1xf32>
    %iota3A = tpu.iota {dimensions = array<i32: 1>} : vector<2048x2048xi32>
    %add3A_21 = arith.constant 0 : i32
    %add3A_22 = vector.broadcast %add3A_21 : i32 to vector<2048x2048xi32>
    %add3A_23 = arith.addi %iota3A, %add3A_22 : vector<2048x2048xi32>
    %eq3A = vector.broadcast %broadcast_in_dim3A_20 : vector<2048x1xf32> to vector<2048x2048xf32>
    %eq3A_24 = arith.cmpf oeq, %add3A_18, %eq3A : vector<2048x2048xf32>
    %jit3A = arith.constant 2147483647 : i32
    %broadcast_in_dim3A_25 = vector.broadcast %jit3A : i32 to vector<2048x2048xi32>
    %select_n3A = arith.select %eq3A_24, %add3A_23, %broadcast_in_dim3A_25 : vector<2048x2048xi1>, vector<2048x2048xi32>
    %reduce_min3A_26 = arith.constant dense<2147483647> : vector<2048xi32>
    %reduce_min3A_27 = vector.multi_reduction <minsi>, %select_n3A, %reduce_min3A_26 [1] : vector<2048x2048xi32> to vector<2048xi32>
    %broadcast_in_dim3A_28 = vector.shape_cast %reduce_min3A_27 : vector<2048xi32> to vector<2048x1xi32>
    %lt3A = arith.cmpf olt, %broadcast_in_dim3A_20, %broadcast_in_dim3A_5 : vector<2048x1xf32>
    %convert_element_type3A_29 = arith.truncf %broadcast_in_dim3A_20 : vector<2048x1xf32> to vector<2048x1xbf16>
    %convert_element_type3A_30 = arith.extf %convert_element_type3A_29 : vector<2048x1xbf16> to vector<2048x1xf32>
    %select_n3A_31 = arith.select %lt3A, %convert_element_type3A_30, %broadcast_in_dim3A_5 : vector<2048x1xi1>, vector<2048x1xf32>
    %select_n3A_32 = arith.select %lt3A, %broadcast_in_dim3A_28, %broadcast_in_dim3A_7 : vector<2048x1xi1>, vector<2048x1xi32>
    %get3A_33 = arith.constant 0 : index
    %get3A_34 = arith.constant 2048 : index
    %get3A_35 = vector.load %arg2[%get3A_33, %get3A_34] : memref<32x8192xf32, #tpu.memory_space<vmem>>, vector<32x2048xf32>
    %convert_element_type3A_36 = arith.truncf %get3A_35 : vector<32x2048xf32> to vector<32x2048xbf16>
    %add3A_37 = arith.addf %convert_element_type3A_36, %convert_element_type3A_36 : vector<32x2048xbf16>
    %dot_general3A_38 = arith.constant dense<0.000000e+00> : vector<2048x2048xf32>
    %dot_general3A_39 = tpu.matmul %convert_element_type3A, %add3A_37, %dot_general3A_38 {dimension_numbers = #tpu.dot_dimension_numbers<[1], [0], [0], [1], [0, 0, 1, 1], [], []>, transpose_lhs_hint = false} : vector<2048x32xbf16>, vector<32x2048xbf16>, vector<2048x2048xf32> -> vector<2048x2048xf32>
    %get3A_40 = arith.constant 0 : index
    %get3A_41 = arith.constant 2048 : index
    %get3A_42 = vector.load %arg4[%get3A_40, %get3A_41] : memref<1x8192xf32, #tpu.memory_space<vmem>>, vector<1x2048xf32>
    %sub3A_43 = vector.broadcast %get3A_4 : vector<2048x1xf32> to vector<2048x2048xf32>
    %sub3A_44 = arith.subf %sub3A_43, %dot_general3A_39 : vector<2048x2048xf32>
    %add3A_45 = vector.broadcast %get3A_42 : vector<1x2048xf32> to vector<2048x2048xf32>
    %add3A_46 = arith.addf %sub3A_44, %add3A_45 : vector<2048x2048xf32>
    %reduce_min3A_47 = arith.constant dense<0x7F800000> : vector<2048xf32>
    %reduce_min3A_48 = vector.multi_reduction <minimumf>, %add3A_46, %reduce_min3A_47 [1] : vector<2048x2048xf32> to vector<2048xf32>
    %broadcast_in_dim3A_49 = vector.shape_cast %reduce_min3A_48 : vector<2048xf32> to vector<2048x1xf32>
    %iota3A_50 = tpu.iota {dimensions = array<i32: 1>} : vector<2048x2048xi32>
    %add3A_51 = arith.constant 2048 : i32
    %add3A_52 = vector.broadcast %add3A_51 : i32 to vector<2048x2048xi32>
    %add3A_53 = arith.addi %iota3A_50, %add3A_52 : vector<2048x2048xi32>
    %eq3A_54 = vector.broadcast %broadcast_in_dim3A_49 : vector<2048x1xf32> to vector<2048x2048xf32>
    %eq3A_55 = arith.cmpf oeq, %add3A_46, %eq3A_54 : vector<2048x2048xf32>
    %jit3A_56 = arith.constant 2147483647 : i32
    %broadcast_in_dim3A_57 = vector.broadcast %jit3A_56 : i32 to vector<2048x2048xi32>
    %select_n3A_58 = arith.select %eq3A_55, %add3A_53, %broadcast_in_dim3A_57 : vector<2048x2048xi1>, vector<2048x2048xi32>
    %reduce_min3A_59 = arith.constant dense<2147483647> : vector<2048xi32>
    %reduce_min3A_60 = vector.multi_reduction <minsi>, %select_n3A_58, %reduce_min3A_59 [1] : vector<2048x2048xi32> to vector<2048xi32>
    %broadcast_in_dim3A_61 = vector.shape_cast %reduce_min3A_60 : vector<2048xi32> to vector<2048x1xi32>
    %lt3A_62 = arith.cmpf olt, %broadcast_in_dim3A_49, %select_n3A_31 : vector<2048x1xf32>
    %convert_element_type3A_63 = arith.truncf %broadcast_in_dim3A_49 : vector<2048x1xf32> to vector<2048x1xbf16>
    %convert_element_type3A_64 = arith.extf %convert_element_type3A_63 : vector<2048x1xbf16> to vector<2048x1xf32>
    %select_n3A_65 = arith.select %lt3A_62, %convert_element_type3A_64, %select_n3A_31 : vector<2048x1xi1>, vector<2048x1xf32>
    %select_n3A_66 = arith.select %lt3A_62, %broadcast_in_dim3A_61, %select_n3A_32 : vector<2048x1xi1>, vector<2048x1xi32>
    %get3A_67 = arith.constant 0 : index
    %get3A_68 = arith.constant 4096 : index
    %get3A_69 = vector.load %arg2[%get3A_67, %get3A_68] : memref<32x8192xf32, #tpu.memory_space<vmem>>, vector<32x2048xf32>
    %convert_element_type3A_70 = arith.truncf %get3A_69 : vector<32x2048xf32> to vector<32x2048xbf16>
    %add3A_71 = arith.addf %convert_element_type3A_70, %convert_element_type3A_70 : vector<32x2048xbf16>
    %dot_general3A_72 = arith.constant dense<0.000000e+00> : vector<2048x2048xf32>
    %dot_general3A_73 = tpu.matmul %convert_element_type3A, %add3A_71, %dot_general3A_72 {dimension_numbers = #tpu.dot_dimension_numbers<[1], [0], [0], [1], [0, 0, 1, 1], [], []>, transpose_lhs_hint = false} : vector<2048x32xbf16>, vector<32x2048xbf16>, vector<2048x2048xf32> -> vector<2048x2048xf32>
    %get3A_74 = arith.constant 0 : index
    %get3A_75 = arith.constant 4096 : index
    %get3A_76 = vector.load %arg4[%get3A_74, %get3A_75] : memref<1x8192xf32, #tpu.memory_space<vmem>>, vector<1x2048xf32>
    %sub3A_77 = vector.broadcast %get3A_4 : vector<2048x1xf32> to vector<2048x2048xf32>
    %sub3A_78 = arith.subf %sub3A_77, %dot_general3A_73 : vector<2048x2048xf32>
    %add3A_79 = vector.broadcast %get3A_76 : vector<1x2048xf32> to vector<2048x2048xf32>
    %add3A_80 = arith.addf %sub3A_78, %add3A_79 : vector<2048x2048xf32>
    %reduce_min3A_81 = arith.constant dense<0x7F800000> : vector<2048xf32>
    %reduce_min3A_82 = vector.multi_reduction <minimumf>, %add3A_80, %reduce_min3A_81 [1] : vector<2048x2048xf32> to vector<2048xf32>
    %broadcast_in_dim3A_83 = vector.shape_cast %reduce_min3A_82 : vector<2048xf32> to vector<2048x1xf32>
    %iota3A_84 = tpu.iota {dimensions = array<i32: 1>} : vector<2048x2048xi32>
    %add3A_85 = arith.constant 4096 : i32
    %add3A_86 = vector.broadcast %add3A_85 : i32 to vector<2048x2048xi32>
    %add3A_87 = arith.addi %iota3A_84, %add3A_86 : vector<2048x2048xi32>
    %eq3A_88 = vector.broadcast %broadcast_in_dim3A_83 : vector<2048x1xf32> to vector<2048x2048xf32>
    %eq3A_89 = arith.cmpf oeq, %add3A_80, %eq3A_88 : vector<2048x2048xf32>
    %jit3A_90 = arith.constant 2147483647 : i32
    %broadcast_in_dim3A_91 = vector.broadcast %jit3A_90 : i32 to vector<2048x2048xi32>
    %select_n3A_92 = arith.select %eq3A_89, %add3A_87, %broadcast_in_dim3A_91 : vector<2048x2048xi1>, vector<2048x2048xi32>
    %reduce_min3A_93 = arith.constant dense<2147483647> : vector<2048xi32>
    %reduce_min3A_94 = vector.multi_reduction <minsi>, %select_n3A_92, %reduce_min3A_93 [1] : vector<2048x2048xi32> to vector<2048xi32>
    %broadcast_in_dim3A_95 = vector.shape_cast %reduce_min3A_94 : vector<2048xi32> to vector<2048x1xi32>
    %lt3A_96 = arith.cmpf olt, %broadcast_in_dim3A_83, %select_n3A_65 : vector<2048x1xf32>
    %convert_element_type3A_97 = arith.truncf %broadcast_in_dim3A_83 : vector<2048x1xf32> to vector<2048x1xbf16>
    %convert_element_type3A_98 = arith.extf %convert_element_type3A_97 : vector<2048x1xbf16> to vector<2048x1xf32>
    %select_n3A_99 = arith.select %lt3A_96, %convert_element_type3A_98, %select_n3A_65 : vector<2048x1xi1>, vector<2048x1xf32>
    %select_n3A_100 = arith.select %lt3A_96, %broadcast_in_dim3A_95, %select_n3A_66 : vector<2048x1xi1>, vector<2048x1xi32>
    %get3A_101 = arith.constant 0 : index
    %get3A_102 = arith.constant 6144 : index
    %get3A_103 = vector.load %arg2[%get3A_101, %get3A_102] : memref<32x8192xf32, #tpu.memory_space<vmem>>, vector<32x2048xf32>
    %convert_element_type3A_104 = arith.truncf %get3A_103 : vector<32x2048xf32> to vector<32x2048xbf16>
    %add3A_105 = arith.addf %convert_element_type3A_104, %convert_element_type3A_104 : vector<32x2048xbf16>
    %dot_general3A_106 = arith.constant dense<0.000000e+00> : vector<2048x2048xf32>
    %dot_general3A_107 = tpu.matmul %convert_element_type3A, %add3A_105, %dot_general3A_106 {dimension_numbers = #tpu.dot_dimension_numbers<[1], [0], [0], [1], [0, 0, 1, 1], [], []>, transpose_lhs_hint = false} : vector<2048x32xbf16>, vector<32x2048xbf16>, vector<2048x2048xf32> -> vector<2048x2048xf32>
    %get3A_108 = arith.constant 0 : index
    %get3A_109 = arith.constant 6144 : index
    %get3A_110 = vector.load %arg4[%get3A_108, %get3A_109] : memref<1x8192xf32, #tpu.memory_space<vmem>>, vector<1x2048xf32>
    %sub3A_111 = vector.broadcast %get3A_4 : vector<2048x1xf32> to vector<2048x2048xf32>
    %sub3A_112 = arith.subf %sub3A_111, %dot_general3A_107 : vector<2048x2048xf32>
    %add3A_113 = vector.broadcast %get3A_110 : vector<1x2048xf32> to vector<2048x2048xf32>
    %add3A_114 = arith.addf %sub3A_112, %add3A_113 : vector<2048x2048xf32>
    %reduce_min3A_115 = arith.constant dense<0x7F800000> : vector<2048xf32>
    %reduce_min3A_116 = vector.multi_reduction <minimumf>, %add3A_114, %reduce_min3A_115 [1] : vector<2048x2048xf32> to vector<2048xf32>
    %broadcast_in_dim3A_117 = vector.shape_cast %reduce_min3A_116 : vector<2048xf32> to vector<2048x1xf32>
    %iota3A_118 = tpu.iota {dimensions = array<i32: 1>} : vector<2048x2048xi32>
    %add3A_119 = arith.constant 6144 : i32
    %add3A_120 = vector.broadcast %add3A_119 : i32 to vector<2048x2048xi32>
    %add3A_121 = arith.addi %iota3A_118, %add3A_120 : vector<2048x2048xi32>
    %eq3A_122 = vector.broadcast %broadcast_in_dim3A_117 : vector<2048x1xf32> to vector<2048x2048xf32>
    %eq3A_123 = arith.cmpf oeq, %add3A_114, %eq3A_122 : vector<2048x2048xf32>
    %jit3A_124 = arith.constant 2147483647 : i32
    %broadcast_in_dim3A_125 = vector.broadcast %jit3A_124 : i32 to vector<2048x2048xi32>
    %select_n3A_126 = arith.select %eq3A_123, %add3A_121, %broadcast_in_dim3A_125 : vector<2048x2048xi1>, vector<2048x2048xi32>
    %reduce_min3A_127 = arith.constant dense<2147483647> : vector<2048xi32>
    %reduce_min3A_128 = vector.multi_reduction <minsi>, %select_n3A_126, %reduce_min3A_127 [1] : vector<2048x2048xi32> to vector<2048xi32>
    %broadcast_in_dim3A_129 = vector.shape_cast %reduce_min3A_128 : vector<2048xi32> to vector<2048x1xi32>
    %lt3A_130 = arith.cmpf olt, %broadcast_in_dim3A_117, %select_n3A_99 : vector<2048x1xf32>
    %select_n3A_131 = arith.select %lt3A_130, %broadcast_in_dim3A_129, %select_n3A_100 : vector<2048x1xi1>, vector<2048x1xi32>
    %swap3A = arith.constant 0 : index
    %swap3A_132 = arith.constant 0 : index
    %swap3A_133 = vector.load %arg5[%swap3A, %swap3A_132] : memref<2048x1xi32, #tpu.memory_space<vmem>>, vector<2048x1xi32>
    tpu.vector_store %arg5[%swap3A, %swap3A_132], %select_n3A_131 {strides = array<i32>} : memref<2048x1xi32, #tpu.memory_space<vmem>>, vector<2048x1xi32>,
    return
  }
  func.func @transform_0(%arg0: i32) -> (i32, i32) {
    %c0_i32 = arith.constant 0 : i32
    %c0_i32_0 = arith.constant 0 : i32
    return %arg0, %c0_i32 : i32, i32
  }
  func.func @transform_1(%arg0: i32) -> (i32, i32) {
    %c0_i32 = arith.constant 0 : i32
    %c0_i32_0 = arith.constant 0 : i32
    %c0_i32_1 = arith.constant 0 : i32
    return %c0_i32, %c0_i32_0 : i32, i32
  }
  func.func @transform_2(%arg0: i32) -> (i32, i32) {
    %c0_i32 = arith.constant 0 : i32
    %c0_i32_0 = arith.constant 0 : i32
    return %arg0, %c0_i32 : i32, i32
  }
  func.func @transform_3(%arg0: i32) -> (i32, i32) {
    %c0_i32 = arith.constant 0 : i32
    %c0_i32_0 = arith.constant 0 : i32
    %c0_i32_1 = arith.constant 0 : i32
    return %c0_i32, %c0_i32_0 : i32, i32
  }
  func.func @transform_4(%arg0: i32) -> (i32, i32) {
    %c0_i32 = arith.constant 0 : i32
    %c0_i32_0 = arith.constant 0 : i32
    return %arg0, %c0_i32 : i32, i32
  }
}

</mosaic_0001>

<sc_bundles>
// kernel: kernel.4.cloned.1.call-start
scs
__scs_entry_jumppad:
0x0: {  	(pc) =	sbr.rel $0x88, $3  }
0x1: {  	(tag) =	ssettag $0x0;
	lr =	simm.s32 $0x1  }
0x2: {  	[smem:$0x3F9F] =	sst lr;
	_ =	strace $0xD0000000  }
0x3: {  	_ = 	snop  }
0x4: {  	_ = 	snop  }
0x5: {  	_ = 	snop  }
0x6: {  	_ = 	snop  }
0x7: {  	_ = 	snop  }
__scs_overlays_trampoline_lowered:
0x8: {  	[smem:$0x3FAE] =	sst s0  }
0x9: {  	[smem:$0x3FAF] =	sst s1  }
0xa: {  	[smem:$0x3FB0] =	sst s2  }
0xb: {  	[smem:$0x3FB1] =	sst s3  }
0xc: {  	[smem:$0x3FB2] =	sst s4  }
0xd: {  	[smem:$0x3FB3] =	sst s5  }
0xe: {  	[smem:$0x3FB4] =	sst s6  }
0xf: {  	[smem:$0x3FB5] =	sst s7  }
0x10: {  	[smem:$0x3FB6] =	sst s8  }
0x11: {  	[smem:$0x3FB7] =	sst s9;
	s0 =	simm.s32 @!p0 $0x0  }
0x12: {  	s1 =	sld [smem:$0x3F9D];
	s0 =	simm.s32 @p0 $0x1  }
0x13: {  	[smem:$0x3FB8] =	sst s0;
	s0 =	simm.s32 @!p1 $0x0  }
0x14: {  	s2 =	sld [smem:$0x3F9C];
	s0 =	simm.s32 @p1 $0x1  }
0x15: {  	[smem:$0x3FB9] =	sst s0;
	s0 =	simm.s32 @!p2 $0x0  }
0x16: {  	s3 =	sld [smem:$0x3FDB];
	s0 =	simm.s32 @p2 $0x1  }
0x17: {  	s4 =	simm.s32 $0x1BF5;
	[smem:$0x3FBB] =	sst s0  }
0x18: {  	s0 =	sld [smem:$0x3F9E];
	_ =	swait.ge [sflag:s4], $0x0  }
0x19: {  	s7 =	sld [smem:$0x3F9F]  }
0x1a: {  	s8 =	sadd.s32 $0xFFFFE003, lr  }
0x1b: {  	s9 =	sadd.s32 $0xFFFFFEF7, lr;
	s5 =	simm.s32 $0xFFFFFFFF;
	p2 =	slt.u32 s8, $0xFFFFF086  }
0x1c: {  	p1 =	slt.u32 s9, $0xF7A;
	s5 =	simm.s32 @!p2 $0x0  }
0x1d: {  	s5 =	simm.s32 @p1 $0x1;
	p0 =	seq.s32 s7, s2  }
0x1e: {  	s7 =	smul.u32 @!p0 $0xF7A, s2;
	p2 =	seq.s32 @!p0 s5, $0x0  }
0x1f: {  	s9 =	smul.u32 $0xF7A, s1;
	s8 =	simm.s32 @!p0 $0x1BF5;
	p2 =	por !p2, p0  }
0x20: {  	[sflag:s8] =	ssyncset.s32 @!p0 $0xFFFFF086;
	s6 =	sadd.s32 @!p0 s3, s7;
	s7 =	simm.s32 @!p0 $0x108  }
0x21: {  	s3 =	sadd.s32 s3, s9;
	s6 =	sadd.s32 @!p0 $0x88, s6;
	s7 =	simm.s32 @p2 $0x1082  }
0x22: {  	[simem:s7], [sflag:s8] =	dma.local @!p0 [hbm:s6], $0xF7A  }
0x23: {  	s9 =	sor.u32 $0xD0000000, s2;
	s6 =	simm.s32 $0x108;
	_ =	swait.ge @!p0 [sflag:s8], $0x0  }
0x24: {  	s3 =	sadd.s32 $0x88, s3;
	s6 =	simm.s32 @!p1 $0x1082;
	[sflag:s4] =	ssyncset.s32 $0xFFFFF086  }
0x25: {  	[simem:s6], [sflag:s4] =	dma.local [hbm:s3], $0xF7A  }
0x26: {  	[smem:$0x3F9F] =	sst s1;
	(tag) =	ssettag s2;
	_ =	strace s9  }
0x27: {  	s1 =	sld [smem:$0x3FAF]  }
0x28: {  	s2 =	sld [smem:$0x3FB0]  }
0x29: {  	s4 =	sld [smem:$0x3FB2]  }
0x2a: {  	p0 =	seq.s32 s5, $0x0;
	s5 =	sld [smem:$0x3FB3]  }
0x2b: {  	s6 =	sld [smem:$0x3FB4]  }
0x2c: {  	s7 =	sld [smem:$0x3FB5]  }
0x2d: {  	s3 =	simm.s32 $0x108;
	s8 =	sld [smem:$0x3FB6]  }
0x2e: {  	s3 =	simm.s32 @!p0 $0x1082;
	s9 =	sld [smem:$0x3FB7]  }
0x2f: {  	lr =	sadd.s32 s0, s3;
	s0 =	sld [smem:$0x3FAE]  }
0x30: {  	s3 =	sld [smem:$0x3FB1]  }
0x31: {  	[smem:$0x3FBA] =	sst s10  }
0x32: {  	s10 =	sld [smem:$0x3FB8];
	_ =	sdelay $0x3  }
0x33: {  	p0 =	seq.s32 s10, $0x1;
	s10 =	sld [smem:$0x3FBA];
	_ =	sdelay $0x3  }
0x34: {  	[smem:$0x3FBA] =	sst s10  }
0x35: {  	s10 =	sld [smem:$0x3FB9];
	_ =	sdelay $0x3  }
0x36: {  	p1 =	seq.s32 s10, $0x1;
	s10 =	sld [smem:$0x3FBA];
	_ =	sdelay $0x3  }
0x37: {  	[smem:$0x3FBA] =	sst s10  }
0x38: {  	s10 =	sld [smem:$0x3FBB]  }
0x39: {  	_ = 	snop;
	(pc) =	sbr.ind lr, $3  }
0x3a: {  	_ = 	snop  }
0x3b: {  	_ = 	snop  }
0x3c: {  	p2 =	seq.s32 s10, $0x1;
	s10 =	sld [smem:$0x3FBA]  }
0x3d: {  	_ =	shalt  }
0x3e: {  	_ =	shalt  }
0x3f: {  	_ =	shalt  }
0x40: {  	_ =	shalt  }
0x41: {  	_ =	shalt  }
0x42: {  	_ =	shalt  }
0x43: {  	_ =	shalt  }
0x44: {  	_ =	shalt  }
0x45: {  	_ =	shalt  }
0x46: {  	_ =	shalt  }
0x47: {  	_ =	shalt  }
0x48: {  	_ =	shalt  }
0x49: {  	_ =	shalt  }
0x4a: {  	_ =	shalt  }
0x4b: {  	_ =	shalt  }
0x4c: {  	_ =	shalt  }
0x4d: {  	_ =	shalt  }
0x4e: {  	_ =	shalt  }
0x4f: {  	_ =	shalt  }
0x50: {  	_ =	shalt  }
0x51: {  	_ =	shalt  }
0x52: {  	_ =	shalt  }
0x53: {  	_ =	shalt  }
0x54: {  	_ =	shalt  }
0x55: {  	_ =	shalt  }
0x56: {  	_ =	shalt  }
0x57: {  	_ =	shalt  }
0x58: {  	_ =	shalt  }
0x59: {  	_ =	shalt  }
0x5a: {  	_ =	shalt  }
0x5b: {  	_ =	shalt  }
0x5c: {  	_ =	shalt  }
0x5d: {  	_ =	shalt  }
0x5e: {  	_ =	shalt  }
0x5f: {  	_ =	shalt  }
0x60: {  	_ =	shalt  }
0x61: {  	_ =	shalt  }
0x62: {  	_ =	shalt  }
0x63: {  	_ =	shalt  }
0x64: {  	_ =	shalt  }
0x65: {  	_ =	shalt  }
0x66: {  	_ =	shalt  }
0x67: {  	_ =	shalt  }
0x68: {  	_ =	shalt  }
0x69: {  	_ =	shalt  }
0x6a: {  	_ =	shalt  }
0x6b: {  	_ =	shalt  }
0x6c: {  	_ =	shalt  }
0x6d: {  	_ =	shalt  }
0x6e: {  	_ =	shalt  }
0x6f: {  	_ =	shalt  }
0x70: {  	_ =	shalt  }
0x71: {  	_ =	shalt  }
0x72: {  	_ =	shalt  }
0x73: {  	_ =	shalt  }
0x74: {  	_ =	shalt  }
0x75: {  	_ =	shalt  }
0x76: {  	_ =	shalt  }
0x77: {  	_ =	shalt  }
0x78: {  	_ =	shalt  }
0x79: {  	_ =	shalt  }
0x7a: {  	_ =	shalt  }
0x7b: {  	_ =	shalt  }
0x7c: {  	_ =	shalt  }
0x7d: {  	_ =	shalt  }
0x7e: {  	_ =	shalt  }
0x7f: {  	_ =	shalt  }
0x80: {  	_ =	shalt  }
0x81: {  	_ =	shalt  }
0x82: {  	_ =	shalt  }
0x83: {  	_ =	shalt  }
0x84: {  	_ =	shalt  }
0x85: {  	_ =	shalt  }
0x86: {  	_ =	shalt  }
0x87: {  	_ =	shalt  }
.Lfunc_end0:
.L_simem_size_0:
called_computation_lowered:
.L_overlay_start_0:
0x88: {  	s2 =	sld [smem:$0x3FD9]  }
0x89: {  	s3 =	sld [smem:$0x3FFE];
	_ =	sdelay $0x1  }
0x8a: {  	s1 =	srdreg.scid  }
0x8b: {  	s0 =	sand.u32 $0x1, s1  }
0x8c: {  	s14 =	sshll.u32 s0, $0xA;
	s2 =	sadd.s32 s3, s2  }
0x8d: {  	s2 =	sadd.s32 s2, s14  }
0x8e: {  	[smem:$0x3FC6] =	sst s2  }
0x8f: {  	_ = 	snop  }
0x90: {  	s2 =	sld [smem:$0x3FD0];
	_ =	sdelay $0x2  }
0x91: {  	s15 =	simm.s32 $0xA;
	s4 =	simm.s32 $0x10  }
0x92: {  	[smem:s4], [sflag:s15] =	dma.local [hbm:s2], $0x1  }
0x93: {  	_ =	swait.eq [sflag:s15], $0x1  }
0x94: {  	[sflag:s15] =	ssyncset.done $0x0  }
0x95: {  	s16 =	sld [smem:$0x10];
	[sflag:s15] =	ssyncadd.s32 $0xFFFFFFFF  }
0x96: {  	s17 =	sld [smem:$0x11];
	(tm) =	ssettm $0x1  }
0x97: {  	s18 =	sld [smem:$0x3FFB];
	_ =	sdelay $0x3  }
0x98: {  	_ =	strace s18  }
0x99: {  	s4 =	sld [smem:$0x3FFC];
	_ =	sdelay $0x3  }
0x9a: {  	_ =	strace s4  }
0x9b: {  	s4 =	sld [smem:$0x3FFD];
	_ =	sdelay $0x3  }
0x9c: {  	_ =	strace s4  }
0x9d: {  	_ =	strace $0x8FFFFFFF  }
0x9e: {  	s19 =	sld [smem:$0x3FDB];
	_ =	sdelay $0x1  }
0x9f: {  	s5 =	simm.s32 $_scs_section_size  }
0xa0: {  	s6 =	simm.s32 $_size__tile_overlayer_lowered;
	s7 =	simm.s32 $_tile_overlayer_lowered  }
0xa1: {  	s22 =	simm.s32 $0x1BFF;
	s21 =	sshll.u32 s7, $0x1;
	s4 =	sadd.s32 s5, s19  }
0xa2: {  	s8 =	simm.s32 $0x0;
	s20 =	sshll.u32 s6, $0x1;
	s6 =	sadd.s32 s21, s4  }
0xa3: {  	[timem:s8], [sflag:s22] =	dma.local [hbm:s6], s20  }
0xa4: {  	_ =	swait.ge [sflag:s22], s20  }
0xa5: {  	s5 =	ssub.s32 $0x0, s20;
	[sflag:s22] =	ssyncset.done $0x0  }
0xa6: {  	[sflag:s22] =	ssyncadd.s32 s5;
	_ =	sdelay $0x1  }
0xa7: {  	s23 =	simm.s32 $0x1B8B  }
0xa8: {  	_ =	swait.ge [sflag:s23], $0x1  }
0xa9: {  	[sflag:s23] =	ssyncset.done $0x0  }
0xaa: {  	s25 =	simm.s32 $0x1B8E;
	s24 =	sld [smem:$0x3FFE];
	[sflag:s23] =	ssyncadd.s32 $0xFFFFFFFF  }
0xab: {  	s26 =	simm.s32 $execute0_lowered;
	[smem:$0x3FD2] =	sst s25  }
0xac: {  	s6 =	sshll.u32 s26, $0x1;
	_ =	strace $0x80000046;
	[dreg:$0x1] =	wrdreg $0xFFFFFFFF  }
0xad: {  	s28 =	simm.s32 $_size_execute0_lowered;
	s4 =	sadd.s32 s4, s6;
	[dreg:$0x0] =	wrdreg $0x0  }
0xae: {  	s6 =	sshll.u32 s28, $0x1;
	[dreg:$0x2] =	wrdreg s4  }
0xaf: {  	[dreg:$0x3] =	wrdreg s6  }
0xb0: {  	[dreg:$0x4] =	wrdreg $0xC0  }
0xb1: {  	_ =	task [dreg:s8], $0x5FFFF  }
0xb2: {  	[dreg:$0x1] =	wrdreg $0xFFFFFFFF  }
0xb3: {  	[dreg:$0x0] =	wrdreg $0x60  }
0xb4: {  	[dreg:$0x2] =	wrdreg s16  }
0xb5: {  	[dreg:$0x3] =	wrdreg s24  }
0xb6: {  	[dreg:$0x4] =	wrdreg s17  }
0xb7: {  	[dreg:$0x5] =	wrdreg $0x9  }
0xb8: {  	_ =	task.clear_ibuf [dreg:s8], $0x6FFFF;
	_ =	strace $0x90000046  }
0xb9: {  	s29 =	simm.s32 $0x9;
	_ =	strace $0x80000048  }
0xba: {  	_ =	swait.ge [sflag:s29], $0x1  }
0xbb: {  	[sflag:s29] =	ssyncadd.s32 $0xFFFFFFFF  }
0xbc: {  	_ =	strace $0x90000048  }
0xbd: {  	_ =	sfence  }
0xbe: {  	s30 =	sld [smem:$0x0];
	_ =	sdelay $0x2  }
0xbf: {  	s31 =	sshll.u32 s1, $0xD;
	s1 =	sshrl.u32 s1, $0x2  }
0xc0: {  	s3 =	sand.u32 $0x4000, s31;
	s1 =	sadd.s32 s1, s30  }
0xc1: {  	s0 =	sor.u32 s3, s0;
	s1 =	sshll.u32 s1, $0x11  }
0xc2: {  	s0 =	sor.u32 s1, s0  }
0xc3: {  	s0 =	sadd.s32 $0x8F2B, s0  }
0xc4: {  	[sflag:s0] =	ssyncadd.remote.s32 $0x1  }
0xc5: {  	_ =	sfence.sel $0xFFFF  }
0xc6: {  	[dreg:$0x0] =	wrdreg $0xFFFFFFFF;
	(pc) =	sbr.abs _section_cstart, $3  }
0xc7: {  	[dreg:$0x1] =	wrdreg $0xFFFFFFFF  }
0xc8: {  	_ =	task.clear_ibuf [dreg:s8], $0x2FFFF;
	_ =	strace $0x9FFFFFFF  }
0xc9: {  	(tm) =	ssettm $0x7FFFFFFF  }
tec
execute0_lowered:
.L_overlay_start_1:
0x0: {  	(tag) =	ssettag $0x1  }
0x1: {  	s1 =	rddreg [dreg:$0x0]  }
0x2: {  	s5 =	rddreg [dreg:$0x1]  }
0x3: {  	s8 =	rddreg [dreg:$0x2];
	s3 =	srdreg.scid  }
0x4: {  	s0 =	rddreg [dreg:$0x3];
	s2 =	stileid.u32  }
0x5: {  	s11 =	simm.s32 $0x80;
	s12 =	simm.s32 $0x4100;
	s13 =	simm.s32 $0x100  }
0x6: {  	s14 =	simm.s32 $0x1;
	s15 =	simm.s32 $0xC100;
	s16 =	simm.s32 $0x14100  }
0x7: {  	s17 =	simm.s32 $0x0;
	s4 =	sand.u32 $0x1, s3;
	s3 =	simm.s32 $0x0  }
0x8: {  	s6 =	sshll.u32 s2, $0x9;
	s7 =	sshll.u32 s4, $0x8;
	[smem:$0x7FF] =	sst s3  }
0x9: {  	s4 =	ssub.s32 $0x2, s4;
	s6 =	sor.u32 s7, s6;
	_ =	strace $0x80000047  }
0xa: {  	s9 =	sshrl.u32 s4, $0x1;
	s7 =	sshrl.u32 s6, $0x3;
	s10 =	sshll.u32 s6, $0x4  }
0xb: {  	s9 =	ssub.s32 s4, s9;
	s7 =	sadd.s32 s7, s5;
	s5 =	sadd.s32 s5, s10  }
0xc: {  	s8 =	sadd.s32 s8, s10;
	s9 =	smax.u32 s9, $0x1;
	s10 =	simm.s32 $0x2  }
0xd: {  	s4 =	sadd.s32 $0x20000, s7;
	s6 =	sadd.s32 $0x20010, s7;
	s7 =	sadd.s32 $0x20400, s5  }
.LBB2_1:
0xe: {  	[tilespmem:s3], [sflag:$0x2] =	stream.linear.gather [hbm4b:s4+s3], $0x80, $0x38;
	[tilespmem:$0x1C100] =	vst v63  }
0xf: {  	_ =	swait.ge [sflag:s10], $0x80  }
0x10: {  	[sflag:s10] =	ssyncset.done $0x0  }
0x11: {  	[sflag:s10] =	ssyncadd.s32 $0xFFFFFF80  }
0x12: {  	[tilespmem:s11], [sflag:$0x2] =	stream.linear.gather [hbm4b:s6+s3], $0x80, $0x38;
	[tilespmem:$0x1C100] =	vst v63  }
0x13: {  	_ =	swait.ge [sflag:s10], $0x80  }
0x14: {  	[sflag:s10] =	ssyncset.done $0x0  }
0x15: {  	[sflag:s10] =	ssyncadd.s32 $0xFFFFFF80  }
0x16: {  	[tilespmem:s12], [sflag:$0x2] =	stream.linear.gather [hbm4b:s5+s3], $0x8000, $0x38;
	[tilespmem:$0x1C100] =	vst v63  }
0x17: {  	_ =	swait.ge [sflag:s10], $0x8000  }
0x18: {  	[sflag:s10] =	ssyncset.done $0x0  }
0x19: {  	[sflag:s10] =	ssyncadd.s32 $0xFFFF8000  }
0x1a: {  	[tilespmem:s13], [sflag:$0x1] =	stream.indirect.gather [hbm4b:s1+s11], $0x80, s3, s11, $0xb8;
	[tilespmem:$0x1C100] =	vst v63  }
0x1b: {  	_ =	swait.ge [sflag:s14], $0x4000  }
0x1c: {  	[sflag:s14] =	ssyncset.done $0x0  }
0x1d: {  	s19 =	simm.s32 $0x0;
	[sflag:s14] =	ssyncadd.s32 $0xFFFFC000  }
0x1e: {  	v0 =	vld [tilespmem:s19+$0x110]  }
0x1f: {  	v3 =	vld [tilespmem:s19+$0x4110]  }
0x20: {  	v4 =	vld [tilespmem:s19+$0x100]  }
0x21: {  	v5 =	vld [tilespmem:s19+$0x4100];
	_ =	sdelay $0x1  }
0x22: {  	s18 =	simm.s32 $0x80  }
0x23: {  	v1 =	vld [tilespmem:s18+$0x110];
	v6 =	vsub.f32 v0, v3  }
0x24: {  	v0 =	vld [tilespmem:s18+$0x4110]  }
0x25: {  	v2 =	vld [tilespmem:s18+$0x100];
	v4 =	vsub.f32 v4, v5;
	[tilespmem:s19+$0x14110] =	vst v6;
	v6 =	vadd.f32 v6, v3  }
0x26: {  	v3 =	vld [tilespmem:s18+$0x4100]  }
0x27: {  	s20 =	simm.s32 $0x400;
	v5 =	vadd.f32 v4, v5;
	[tilespmem:s19+$0xC110] =	vst v6  }
.LBB2_2:
0x28: {  	s21 =	sshra.s32 s20, $0x2;
	[tilespmem:s19+$0x14100] =	vst v4;
	p0 =	sne.s32 s20, $0xFE00  }
.Ltmp0:
0x29: {  	s20 =	sadd.s32 $0x200, s20;
	v6 =	vsub.f32 v1, v0;
	v1 =	vld [tilespmem:s21+$0x110];
	[tilespmem:s19+$0xC100] =	vst v5;
	v7 =	vmov v0;
	(pc) =	sbr.rel @p0 .LBB2_2-.Ltmp0, $4  }
0x2a: {  	s19 =	smov.u32 s18;
	s18 =	smov.u32 s21;
	v0 =	vld [tilespmem:s21+$0x4110]  }
0x2b: {  	v4 =	vsub.f32 v2, v3;
	v2 =	vld [tilespmem:s18+$0x100];
	[tilespmem:s19+$0x14110] =	vst v6;
	v6 =	vadd.f32 v6, v7;
	v5 =	vmov v3  }
0x2c: {  	v3 =	vld [tilespmem:s18+$0x4100]  }
0x2d: {  	v5 =	vadd.f32 v4, v5;
	[tilespmem:s19+$0xC110] =	vst v6  }
0x2e: {  	_ = 	snop  }
0x2f: {  	v1 =	vsub.f32 v1, v0  }
0x30: {  	[tilespmem:s19+$0x14100] =	vst v4  }
0x31: {  	[tilespmem:s19+$0xC100] =	vst v5;
	v2 =	vsub.f32 v2, v3;
	v0 =	vadd.f32 v1, v0  }
0x32: {  	[tilespmem:s18+$0x14110] =	vst v1  }
0x33: {  	v1 =	vadd.f32 v2, v3;
	[tilespmem:s18+$0xC110] =	vst v0  }
0x34: {  	[tilespmem:s18+$0x14100] =	vst v2  }
0x35: {  	[tilespmem:s18+$0xC100] =	vst v1  }
0x36: {  	[tilespmem:s13], [sflag:$0x1] =	stream.indirect.gather [hbm4b:s1+s11], $0x80, s11, s11, $0xb8;
	[tilespmem:$0x1C100] =	vst v63  }
0x37: {  	_ =	swait.ge [sflag:s14], $0x4000  }
0x38: {  	[sflag:s14] =	ssyncset.done $0x0  }
0x39: {  	s19 =	simm.s32 $0x0;
	[sflag:s14] =	ssyncadd.s32 $0xFFFFC000  }
0x3a: {  	v0 =	vld [tilespmem:s19+$0x110]  }
0x3b: {  	v3 =	vld [tilespmem:s19+$0x8110]  }
0x3c: {  	v4 =	vld [tilespmem:s19+$0x100]  }
0x3d: {  	v5 =	vld [tilespmem:s19+$0x8100];
	_ =	sdelay $0x1  }
0x3e: {  	s18 =	simm.s32 $0x80  }
0x3f: {  	v1 =	vld [tilespmem:s18+$0x110];
	v6 =	vsub.f32 v0, v3  }
0x40: {  	v0 =	vld [tilespmem:s18+$0x8110]  }
0x41: {  	v2 =	vld [tilespmem:s18+$0x100];
	v4 =	vsub.f32 v4, v5;
	[tilespmem:s19+$0x18110] =	vst v6;
	v6 =	vadd.f32 v6, v3  }
0x42: {  	v3 =	vld [tilespmem:s18+$0x8100]  }
0x43: {  	s20 =	simm.s32 $0x400;
	v5 =	vadd.f32 v4, v5;
	[tilespmem:s19+$0x10110] =	vst v6  }
.LBB2_4:
0x44: {  	s21 =	sshra.s32 s20, $0x2;
	[tilespmem:s19+$0x18100] =	vst v4;
	p0 =	sne.s32 s20, $0xFE00  }
.Ltmp1:
0x45: {  	s20 =	sadd.s32 $0x200, s20;
	v6 =	vsub.f32 v1, v0;
	v1 =	vld [tilespmem:s21+$0x110];
	[tilespmem:s19+$0x10100] =	vst v5;
	v7 =	vmov v0;
	(pc) =	sbr.rel @p0 .LBB2_4-.Ltmp1, $4  }
0x46: {  	s19 =	smov.u32 s18;
	s18 =	smov.u32 s21;
	v0 =	vld [tilespmem:s21+$0x8110]  }
0x47: {  	v4 =	vsub.f32 v2, v3;
	v2 =	vld [tilespmem:s18+$0x100];
	[tilespmem:s19+$0x18110] =	vst v6;
	v6 =	vadd.f32 v6, v7;
	v5 =	vmov v3  }
0x48: {  	v3 =	vld [tilespmem:s18+$0x8100]  }
0x49: {  	v5 =	vadd.f32 v4, v5;
	[tilespmem:s19+$0x10110] =	vst v6  }
0x4a: {  	_ = 	snop  }
0x4b: {  	v1 =	vsub.f32 v1, v0  }
0x4c: {  	[tilespmem:s19+$0x18100] =	vst v4  }
0x4d: {  	[tilespmem:s19+$0x10100] =	vst v5;
	v2 =	vsub.f32 v2, v3;
	v0 =	vadd.f32 v1, v0  }
0x4e: {  	[tilespmem:s18+$0x18110] =	vst v1  }
0x4f: {  	v63 =	vadd.f32 v2, v3;
	[tilespmem:s18+$0x10110] =	vst v0  }
0x50: {  	[tilespmem:s18+$0x18100] =	vst v2  }
0x51: {  	[tilespmem:s18+$0x10100] =	vst v63  }
0x52: {  	[hbm4b:s7+s3] =	stream.linear.scatter [tilespmem:s15], [sflag:$0x2], $0x8000, $0x38;
	[tilespmem:$0x1C100] =	vst v63  }
0x53: {  	s17 =	sadd.s32 $0x1, s17;
	_ =	swait.ge [sflag:s10], $0x8000  }
0x54: {  	p0 =	sne.s32 s17, s9;
	[sflag:s10] =	ssyncset.done $0x0  }
.Ltmp2:
0x55: {  	[sflag:s10] =	ssyncadd.s32 $0xFFFF8000;
	(pc) =	sbr.rel @p0 .LBB2_1-.Ltmp2, $4  }
0x56: {  	[hbm4b:s8+s3] =	stream.linear.scatter [tilespmem:s16], [sflag:$0x2], $0x8000, $0x38;
	[tilespmem:$0x1C100] =	vst v63  }
0x57: {  	_ =	swait.ge [sflag:s10], $0x8000  }
0x58: {  	[sflag:s10] =	ssyncset.done $0x0  }
0x59: {  	[sflag:s10] =	ssyncadd.s32 $0xFFFF8000  }
0x5a: {  	_ =	sfence.sel $0x180000  }
0x5b: {  	[bflag:$0x0] =	sbarrier.arrive $0xFFFF  }
0x5c: {  	p0 =	sne.s32 s2, $0x0;
	_ =	strace $0x90000047  }
0x5d: {  	s0 =	sadd.s32 @!p0 $0x100000, s0;
	[bflag:$0x2] =	sbarrier.arrive $0xFFFF  }
0x5e: {  	[sflag:s0] =	ssyncadd.tile.s32 @!p0 $0x1;
	_ =	shalt  }
.Lfunc_end2:
_tile_overlayer_lowered:
.L_overlay_start_2:
0x5f: {  	(tag) =	ssettag $0x2  }
0x60: {  	s0 =	rddreg [dreg:$0x0];
	s2 =	stileid.u32  }
0x61: {  	s1 =	rddreg [dreg:$0x1];
	p0 =	sne.s32 s2, $0x0  }
0x62: {  	s3 =	rddreg [dreg:$0x2];
	[bflag:$0x3] =	sbarrier.arrive $0xFFFF;
	s2 =	simm.s32 @!p0 $0x1C02  }
0x63: {  	[timem:s3], [sflag:s2] =	dma.local @!p0 [hbm:s0], s1  }
0x64: {  	s0 =	simm.s32 @!p0 $0x2  }
0x65: {  	_ =	swait.ge @!p0 [sflag:s0], s1  }
0x66: {  	s1 =	ssub.s32 @!p0 $0x0, s1;
	[sflag:s0] =	ssyncset.done @!p0 $0x0  }
0x67: {  	[sflag:s0] =	ssyncadd.s32 @!p0 s1  }
0x68: {  	[bflag:$0x3] =	sbarrier.arrive $0xFFFF  }
0x69: {  	_ =	shalt  }

</sc_bundles>
